<compile_context>
chip_gen: v7x
topology: tpu7x:2x2x1
jax: 0.10.2.dev20260603
libtpu: 0.0.44.dev20260713+nightly
codegen_flags: <defaults>
</compile_context>

<pallas_src>
import functools

import jax
import jax.numpy as jnp
from jax import lax
from jax.experimental import pallas as pl
from jax.experimental.pallas import tpu as pltpu
from jax.experimental.pallas import tpu_sc as plsc

_EMBED = 128
_C = 128
_NBUF = 4


@functools.lru_cache(maxsize=None)
def _build(total_rows: int):
    info = plsc.get_sparse_core_info()
    nc, ns = info.num_cores, info.num_subcores
    nw = nc * ns
    b_per_w = total_rows // nw
    n_chunks = b_per_w // _C
    n_outer = n_chunks // _NBUF
    mesh = plsc.VectorSubcoreMesh(core_axis_name="c", subcore_axis_name="s")

    @functools.partial(
        pl.kernel,
        mesh=mesh,
        out_type=jax.ShapeDtypeStruct((total_rows, _EMBED), jnp.float32),
        scratch_types=[
            pltpu.VMEM((n_chunks, _C), jnp.int32),
            pltpu.VMEM((_NBUF, _C, _EMBED), jnp.float32),
            *([pltpu.SemaphoreType.DMA] * (2 * _NBUF)),
        ],
    )
    def gather_kernel(table_hbm, idx_hbm, out_hbm, idx_v, rows_v, *sems):
        gsem = sems[:_NBUF]
        ssem = sems[_NBUF:]
        wid = lax.axis_index("s") * nc + lax.axis_index("c")
        base = wid * b_per_w
        pltpu.sync_copy(idx_hbm.at[wid], idx_v)

        def gather(j, b):
            return pltpu.make_async_copy(
                table_hbm.at[idx_v.at[j]], rows_v.at[b], gsem[b])

        def scatter(j, b):
            return pltpu.make_async_copy(
                rows_v.at[b], out_hbm.at[pl.ds(base + j * _C, _C)], ssem[b])

        for b in range(_NBUF):
            gather(b, b).start()

        def body(o, carry):
            for b in range(_NBUF):
                j = o * _NBUF + b
                gather(j, b).wait()
                scatter(j, b).start()

                @pl.when(o < n_outer - 1)
                def _(j=j, b=b):
                    scatter(j, b).wait()
                    gather(j + _NBUF, b).start()

            return carry

        lax.fori_loop(0, n_outer, body, 0)
        for b in range(_NBUF):
            scatter(n_chunks - _NBUF + b, b).wait()

    def run(table, idx_flat):
        idx3 = idx_flat.reshape(nw, n_chunks, _C)
        return gather_kernel(table, idx3)

    return run


def kernel(indices, table):
    b, h = indices.shape
    total = b * h
    idx_flat = indices.reshape(-1).astype(jnp.int32)
    out = _build(total)(table, idx_flat)
    return out.reshape(b, h, _EMBED)

# --- scband reference (transcript-rebuilt; emitter-appended) ---
"""Pipeline reference for scband-model-13374528159991 (READ-ONLY COPY).

The authoritative reference and input builder live on the scoring server;
editing this copy changes nothing except your own understanding.
"""

import jax, jax.numpy as jnp
import numpy as np

N_VOCAB = 100000
EMBED = 128
BATCH = 4096
HIST = 200


def setup_inputs(seed: int = 0) -> dict:
    key = jax.random.key(seed)
    k1, k2 = jax.random.split(key)
    # nn.Embedding weights: normal(0,1) init; padding_idx row (n_vocab-1) is zeroed
    table = jax.random.normal(k1, (N_VOCAB, EMBED), dtype=jnp.float32)
    table = table.at[N_VOCAB - 1].set(0.0)
    indices = jax.random.randint(k2, (BATCH, HIST), 0, N_VOCAB, dtype=jnp.int64)
    return {"indices": indices, "table": table}


def reference(indices, table):
    # Faithful translation of nn.Embedding forward: gather rows of the table
    return jnp.take(table, indices, axis=0)

if __name__ == "__main__":
    import jax
    _d = setup_inputs()
    print(jax.jit(kernel)(*tuple(_d.values())))

</pallas_src>

<mosaic_0001>
#map = affine_map<(d0, d1) -> (0, 0)>
#map1 = affine_map<(d0, d1) -> (0, 0, 0)>
module attributes {stable_mosaic.version = 14 : i64} {
  func.func @gather_kernel(%arg0: i32, %arg1: i32, %arg2: memref<100000x128xf32, #tpu.memory_space<hbm>>, %arg3: memref<32x200x128xi32, #tpu.memory_space<hbm>>, %arg4: memref<819200x128xf32, #tpu.memory_space<hbm>>, %arg5: memref<200x128xi32, #tpu.memory_space<vmem>>, %arg6: memref<4x128x128xf32, #tpu.memory_space<vmem>>, %arg7: memref<!tpu.dma_semaphore, #tpu.memory_space<semaphore_mem>>, %arg8: memref<!tpu.dma_semaphore, #tpu.memory_space<semaphore_mem>>, %arg9: memref<!tpu.dma_semaphore, #tpu.memory_space<semaphore_mem>>, %arg10: memref<!tpu.dma_semaphore, #tpu.memory_space<semaphore_mem>>, %arg11: memref<!tpu.dma_semaphore, #tpu.memory_space<semaphore_mem>>, %arg12: memref<!tpu.dma_semaphore, #tpu.memory_space<semaphore_mem>>, %arg13: memref<!tpu.dma_semaphore, #tpu.memory_space<semaphore_mem>>, %arg14: memref<!tpu.dma_semaphore, #tpu.memory_space<semaphore_mem>>) attributes {dimension_semantics = [#tpu.dimension_semantics<core_parallel>, #tpu.dimension_semantics<subcore_parallel>], iteration_bounds = array<i64: 2, 16>, scalar_prefetch = 0 : i64, scratch_operands = 10 : i64, tpu.core_type = #tpu.core_type<sc_vector_subcore>, window_params = [{transform_indices = #map}, {transform_indices = #map1}, {transform_indices = #map}]} {
    %mul3A = arith.constant 2 : i32
    %mul3A_0 = arith.muli %arg1, %mul3A : i32
    %add3A = arith.addi %mul3A_0, %arg0 : i32
    %mul3A_1 = arith.constant 25600 : i32
    %mul3A_2 = arith.muli %add3A, %mul3A_1 : i32
    "tpu.region"() ({
      %run_scoped3A = tpu.sem_alloc : memref<!tpu.dma_semaphore, #tpu.memory_space<semaphore_mem>>
      %dma_start3A_114 = arith.constant 0 : i32
      %dma_start3A_115 = arith.constant 0 : i32
      %dma_start3A_116 = tpu.memref_slice %arg3[%add3A, %dma_start3A_114, %dma_start3A_115] : memref<32x200x128xi32, #tpu.memory_space<hbm>> -> memref<1x200x128xi32, #tpu.memory_space<hbm>>
      %dma_start3A_117 = tpu.memref_squeeze %dma_start3A_116 : memref<1x200x128xi32, #tpu.memory_space<hbm>> -> memref<200x128xi32, #tpu.memory_space<hbm>>
      %dma_start3A_118 = arith.constant 0 : i32
      %dma_start3A_119 = arith.constant 0 : i32
      %dma_start3A_120 = tpu.memref_slice %arg3[%add3A, %dma_start3A_118, %dma_start3A_119] : memref<32x200x128xi32, #tpu.memory_space<hbm>> -> memref<1x200x128xi32, #tpu.memory_space<hbm>>
      %dma_start3A_121 = tpu.memref_squeeze %dma_start3A_120 : memref<1x200x128xi32, #tpu.memory_space<hbm>> -> memref<200x128xi32, #tpu.memory_space<hbm>>
      tpu.enqueue_dma source(%dma_start3A_121 : memref<200x128xi32, #tpu.memory_space<hbm>>) target(%arg5 : memref<200x128xi32, #tpu.memory_space<vmem>>) target_semaphore(%run_scoped3A : memref<!tpu.dma_semaphore, #tpu.memory_space<semaphore_mem>>)
      %dma_wait3A_122 = arith.constant 0 : i32
      %dma_wait3A_123 = arith.constant 0 : i32
      %dma_wait3A_124 = tpu.memref_slice %arg3[%add3A, %dma_wait3A_122, %dma_wait3A_123] : memref<32x200x128xi32, #tpu.memory_space<hbm>> -> memref<1x200x128xi32, #tpu.memory_space<hbm>>
      %dma_wait3A_125 = tpu.memref_squeeze %dma_wait3A_124 : memref<1x200x128xi32, #tpu.memory_space<hbm>> -> memref<200x128xi32, #tpu.memory_space<hbm>>
      %dma_wait3A_126 = arith.constant 0 : i32
      %dma_wait3A_127 = arith.constant 0 : i32
      %dma_wait3A_128 = tpu.memref_slice %arg3[%add3A, %dma_wait3A_126, %dma_wait3A_127] : memref<32x200x128xi32, #tpu.memory_space<hbm>> -> memref<1x200x128xi32, #tpu.memory_space<hbm>>
      %dma_wait3A_129 = tpu.memref_squeeze %dma_wait3A_128 : memref<1x200x128xi32, #tpu.memory_space<hbm>> -> memref<200x128xi32, #tpu.memory_space<hbm>>
      tpu.wait_dma2 semaphore(%run_scoped3A : memref<!tpu.dma_semaphore, #tpu.memory_space<semaphore_mem>>) src(%dma_wait3A_129 : memref<200x128xi32, #tpu.memory_space<hbm>>) dst(%arg5 : memref<200x128xi32, #tpu.memory_space<vmem>>)
      tpu.yield
    }) : () -> ()
    %dma_start3A = arith.constant 0 : i32
    %dma_start3A_3 = arith.constant 0 : i32
    %dma_start3A_4 = arith.constant 0 : i32
    %dma_start3A_5 = arith.constant 0 : i32
    %dma_start3A_6 = tpu.memref_slice %arg6[%dma_start3A_3, %dma_start3A_4, %dma_start3A_5] : memref<4x128x128xf32, #tpu.memory_space<vmem>> -> memref<1x128x128xf32, #tpu.memory_space<vmem>>
    %dma_start3A_7 = tpu.memref_squeeze %dma_start3A_6 : memref<1x128x128xf32, #tpu.memory_space<vmem>> -> memref<128x128xf32, #tpu.memory_space<vmem>>
    %dma_start3A_8 = arith.constant 0 : i32
    %dma_start3A_9 = tpu.memref_slice %arg5[%dma_start3A, %dma_start3A_8] : memref<200x128xi32, #tpu.memory_space<vmem>> -> memref<1x128xi32, #tpu.memory_space<vmem>>
    %dma_start3A_10 = tpu.memref_squeeze %dma_start3A_9 : memref<1x128xi32, #tpu.memory_space<vmem>> -> memref<128xi32, #tpu.memory_space<vmem>>
    %dma_start3A_11 = arith.constant 0 : i32
    %dma_start3A_12 = arith.constant 0 : i32
    %dma_start3A_13 = tpu.memref_slice %arg2[%dma_start3A_11, %dma_start3A_12] : memref<100000x128xf32, #tpu.memory_space<hbm>> -> memref<100000x128xf32, #tpu.memory_space<hbm>>
    tpu.enqueue_indirect_dma source(%dma_start3A_13 : memref<100000x128xf32, #tpu.memory_space<hbm>>) target(%dma_start3A_7 : memref<128x128xf32, #tpu.memory_space<vmem>>) offsets(%dma_start3A_10 : memref<128xi32, #tpu.memory_space<vmem>>) semaphore(%arg7 : memref<!tpu.dma_semaphore, #tpu.memory_space<semaphore_mem>>)
    %dma_start3A_14 = arith.constant 1 : i32
    %dma_start3A_15 = arith.constant 1 : i32
    %dma_start3A_16 = arith.constant 0 : i32
    %dma_start3A_17 = arith.constant 0 : i32
    %dma_start3A_18 = tpu.memref_slice %arg6[%dma_start3A_15, %dma_start3A_16, %dma_start3A_17] : memref<4x128x128xf32, #tpu.memory_space<vmem>> -> memref<1x128x128xf32, #tpu.memory_space<vmem>>
    %dma_start3A_19 = tpu.memref_squeeze %dma_start3A_18 : memref<1x128x128xf32, #tpu.memory_space<vmem>> -> memref<128x128xf32, #tpu.memory_space<vmem>>
    %dma_start3A_20 = arith.constant 0 : i32
    %dma_start3A_21 = tpu.memref_slice %arg5[%dma_start3A_14, %dma_start3A_20] : memref<200x128xi32, #tpu.memory_space<vmem>> -> memref<1x128xi32, #tpu.memory_space<vmem>>
    %dma_start3A_22 = tpu.memref_squeeze %dma_start3A_21 : memref<1x128xi32, #tpu.memory_space<vmem>> -> memref<128xi32, #tpu.memory_space<vmem>>
    %dma_start3A_23 = arith.constant 0 : i32
    %dma_start3A_24 = arith.constant 0 : i32
    %dma_start3A_25 = tpu.memref_slice %arg2[%dma_start3A_23, %dma_start3A_24] : memref<100000x128xf32, #tpu.memory_space<hbm>> -> memref<100000x128xf32, #tpu.memory_space<hbm>>
    tpu.enqueue_indirect_dma source(%dma_start3A_25 : memref<100000x128xf32, #tpu.memory_space<hbm>>) target(%dma_start3A_19 : memref<128x128xf32, #tpu.memory_space<vmem>>) offsets(%dma_start3A_22 : memref<128xi32, #tpu.memory_space<vmem>>) semaphore(%arg8 : memref<!tpu.dma_semaphore, #tpu.memory_space<semaphore_mem>>)
    %dma_start3A_26 = arith.constant 2 : i32
    %dma_start3A_27 = arith.constant 2 : i32
    %dma_start3A_28 = arith.constant 0 : i32
    %dma_start3A_29 = arith.constant 0 : i32
    %dma_start3A_30 = tpu.memref_slice %arg6[%dma_start3A_27, %dma_start3A_28, %dma_start3A_29] : memref<4x128x128xf32, #tpu.memory_space<vmem>> -> memref<1x128x128xf32, #tpu.memory_space<vmem>>
    %dma_start3A_31 = tpu.memref_squeeze %dma_start3A_30 : memref<1x128x128xf32, #tpu.memory_space<vmem>> -> memref<128x128xf32, #tpu.memory_space<vmem>>
    %dma_start3A_32 = arith.constant 0 : i32
    %dma_start3A_33 = tpu.memref_slice %arg5[%dma_start3A_26, %dma_start3A_32] : memref<200x128xi32, #tpu.memory_space<vmem>> -> memref<1x128xi32, #tpu.memory_space<vmem>>
    %dma_start3A_34 = tpu.memref_squeeze %dma_start3A_33 : memref<1x128xi32, #tpu.memory_space<vmem>> -> memref<128xi32, #tpu.memory_space<vmem>>
    %dma_start3A_35 = arith.constant 0 : i32
    %dma_start3A_36 = arith.constant 0 : i32
    %dma_start3A_37 = tpu.memref_slice %arg2[%dma_start3A_35, %dma_start3A_36] : memref<100000x128xf32, #tpu.memory_space<hbm>> -> memref<100000x128xf32, #tpu.memory_space<hbm>>
    tpu.enqueue_indirect_dma source(%dma_start3A_37 : memref<100000x128xf32, #tpu.memory_space<hbm>>) target(%dma_start3A_31 : memref<128x128xf32, #tpu.memory_space<vmem>>) offsets(%dma_start3A_34 : memref<128xi32, #tpu.memory_space<vmem>>) semaphore(%arg9 : memref<!tpu.dma_semaphore, #tpu.memory_space<semaphore_mem>>)
    %dma_start3A_38 = arith.constant 3 : i32
    %dma_start3A_39 = arith.constant 3 : i32
    %dma_start3A_40 = arith.constant 0 : i32
    %dma_start3A_41 = arith.constant 0 : i32
    %dma_start3A_42 = tpu.memref_slice %arg6[%dma_start3A_39, %dma_start3A_40, %dma_start3A_41] : memref<4x128x128xf32, #tpu.memory_space<vmem>> -> memref<1x128x128xf32, #tpu.memory_space<vmem>>
    %dma_start3A_43 = tpu.memref_squeeze %dma_start3A_42 : memref<1x128x128xf32, #tpu.memory_space<vmem>> -> memref<128x128xf32, #tpu.memory_space<vmem>>
    %dma_start3A_44 = arith.constant 0 : i32
    %dma_start3A_45 = tpu.memref_slice %arg5[%dma_start3A_38, %dma_start3A_44] : memref<200x128xi32, #tpu.memory_space<vmem>> -> memref<1x128xi32, #tpu.memory_space<vmem>>
    %dma_start3A_46 = tpu.memref_squeeze %dma_start3A_45 : memref<1x128xi32, #tpu.memory_space<vmem>> -> memref<128xi32, #tpu.memory_space<vmem>>
    %dma_start3A_47 = arith.constant 0 : i32
    %dma_start3A_48 = arith.constant 0 : i32
    %dma_start3A_49 = tpu.memref_slice %arg2[%dma_start3A_47, %dma_start3A_48] : memref<100000x128xf32, #tpu.memory_space<hbm>> -> memref<100000x128xf32, #tpu.memory_space<hbm>>
    tpu.enqueue_indirect_dma source(%dma_start3A_49 : memref<100000x128xf32, #tpu.memory_space<hbm>>) target(%dma_start3A_43 : memref<128x128xf32, #tpu.memory_space<vmem>>) offsets(%dma_start3A_46 : memref<128xi32, #tpu.memory_space<vmem>>) semaphore(%arg10 : memref<!tpu.dma_semaphore, #tpu.memory_space<semaphore_mem>>)
    %scan3A = arith.constant 0 : i32
    %scan3A_50 = arith.constant 0 : i32
    %scan3A_51 = arith.constant 50 : i32
    %scan3A_52 = arith.addi %scan3A_50, %scan3A_51 : i32
    %scan3A_53 = arith.constant 1 : i32
    scf.for %scan3A_114 = %scan3A_50 to %scan3A_52 step %scan3A_53  : i32 {
      %mul3A_115 = arith.constant 4 : i32
      %mul3A_116 = arith.muli %scan3A_114, %mul3A_115 : i32
      %add3A_117 = arith.constant 0 : i32
      %add3A_118 = arith.addi %mul3A_116, %add3A_117 : i32
      %dma_wait3A_119 = arith.constant 0 : i32
      %dma_wait3A_120 = arith.constant 0 : i32
      %dma_wait3A_121 = arith.constant 0 : i32
      %dma_wait3A_122 = tpu.memref_slice %arg6[%dma_wait3A_119, %dma_wait3A_120, %dma_wait3A_121] : memref<4x128x128xf32, #tpu.memory_space<vmem>> -> memref<1x128x128xf32, #tpu.memory_space<vmem>>
      %dma_wait3A_123 = tpu.memref_squeeze %dma_wait3A_122 : memref<1x128x128xf32, #tpu.memory_space<vmem>> -> memref<128x128xf32, #tpu.memory_space<vmem>>
      %dma_wait3A_124 = arith.constant 0 : i32
      %dma_wait3A_125 = tpu.memref_slice %arg5[%add3A_118, %dma_wait3A_124] : memref<200x128xi32, #tpu.memory_space<vmem>> -> memref<1x128xi32, #tpu.memory_space<vmem>>
      %dma_wait3A_126 = tpu.memref_squeeze %dma_wait3A_125 : memref<1x128xi32, #tpu.memory_space<vmem>> -> memref<128xi32, #tpu.memory_space<vmem>>
      %dma_wait3A_127 = arith.constant 0 : i32
      %dma_wait3A_128 = arith.constant 0 : i32
      %dma_wait3A_129 = tpu.memref_slice %arg2[%dma_wait3A_127, %dma_wait3A_128] : memref<100000x128xf32, #tpu.memory_space<hbm>> -> memref<100000x128xf32, #tpu.memory_space<hbm>>
      tpu.wait_indirect_dma semaphore(%arg7 : memref<!tpu.dma_semaphore, #tpu.memory_space<semaphore_mem>>) src(%dma_wait3A_129 : memref<100000x128xf32, #tpu.memory_space<hbm>>) dst(%dma_wait3A_123 : memref<128x128xf32, #tpu.memory_space<vmem>>)
      %mul3A_130 = arith.constant 128 : i32
      %mul3A_131 = arith.muli %add3A_118, %mul3A_130 : i32
      %add3A_132 = arith.addi %mul3A_2, %mul3A_131 : i32
      %dma_start3A_133 = arith.constant 0 : i32
      %dma_start3A_134 = arith.constant 0 : i32
      %dma_start3A_135 = arith.constant 0 : i32
      %dma_start3A_136 = tpu.memref_slice %arg6[%dma_start3A_133, %dma_start3A_134, %dma_start3A_135] : memref<4x128x128xf32, #tpu.memory_space<vmem>> -> memref<1x128x128xf32, #tpu.memory_space<vmem>>
      %dma_start3A_137 = tpu.memref_squeeze %dma_start3A_136 : memref<1x128x128xf32, #tpu.memory_space<vmem>> -> memref<128x128xf32, #tpu.memory_space<vmem>>
      %dma_start3A_138 = arith.constant 0 : i32
      %dma_start3A_139 = tpu.memref_slice %arg4[%add3A_132, %dma_start3A_138] : memref<819200x128xf32, #tpu.memory_space<hbm>> -> memref<128x128xf32, #tpu.memory_space<hbm>>
      %dma_start3A_140 = arith.constant 0 : i32
      %dma_start3A_141 = tpu.memref_slice %arg4[%add3A_132, %dma_start3A_140] : memref<819200x128xf32, #tpu.memory_space<hbm>> -> memref<128x128xf32, #tpu.memory_space<hbm>>
      %dma_start3A_142 = arith.constant 0 : i32
      %dma_start3A_143 = arith.constant 0 : i32
      %dma_start3A_144 = tpu.memref_slice %arg6[%dma_start3A_133, %dma_start3A_142, %dma_start3A_143] : memref<4x128x128xf32, #tpu.memory_space<vmem>> -> memref<1x128x128xf32, #tpu.memory_space<vmem>>
      %dma_start3A_145 = tpu.memref_squeeze %dma_start3A_144 : memref<1x128x128xf32, #tpu.memory_space<vmem>> -> memref<128x128xf32, #tpu.memory_space<vmem>>
      tpu.enqueue_dma source(%dma_start3A_145 : memref<128x128xf32, #tpu.memory_space<vmem>>) target(%dma_start3A_141 : memref<128x128xf32, #tpu.memory_space<hbm>>) target_semaphore(%arg11 : memref<!tpu.dma_semaphore, #tpu.memory_space<semaphore_mem>>)
      %lt3A = arith.constant 49 : i32
      %lt3A_146 = arith.cmpi slt, %scan3A_114, %lt3A : i32
      %convert_element_type3A = arith.extui %lt3A_146 : i1 to i32
      %cond3A = arith.constant 0 : i32
      %cond3A_147 = arith.cmpi ne, %convert_element_type3A, %cond3A : i32
      scf.if %cond3A_147 {
        %mul3A_256 = arith.constant 128 : i32
        %mul3A_257 = arith.muli %add3A_118, %mul3A_256 : i32
        %add3A_258 = arith.addi %mul3A_2, %mul3A_257 : i32
        %dma_wait3A_259 = arith.constant 0 : i32
        %dma_wait3A_260 = arith.constant 0 : i32
        %dma_wait3A_261 = arith.constant 0 : i32
        %dma_wait3A_262 = tpu.memref_slice %arg6[%dma_wait3A_259, %dma_wait3A_260, %dma_wait3A_261] : memref<4x128x128xf32, #tpu.memory_space<vmem>> -> memref<1x128x128xf32, #tpu.memory_space<vmem>>
        %dma_wait3A_263 = tpu.memref_squeeze %dma_wait3A_262 : memref<1x128x128xf32, #tpu.memory_space<vmem>> -> memref<128x128xf32, #tpu.memory_space<vmem>>
        %dma_wait3A_264 = arith.constant 0 : i32
        %dma_wait3A_265 = tpu.memref_slice %arg4[%add3A_258, %dma_wait3A_264] : memref<819200x128xf32, #tpu.memory_space<hbm>> -> memref<128x128xf32, #tpu.memory_space<hbm>>
        %dma_wait3A_266 = arith.constant 0 : i32
        %dma_wait3A_267 = tpu.memref_slice %arg4[%add3A_258, %dma_wait3A_266] : memref<819200x128xf32, #tpu.memory_space<hbm>> -> memref<128x128xf32, #tpu.memory_space<hbm>>
        %dma_wait3A_268 = arith.constant 0 : i32
        %dma_wait3A_269 = arith.constant 0 : i32
        %dma_wait3A_270 = tpu.memref_slice %arg6[%dma_wait3A_259, %dma_wait3A_268, %dma_wait3A_269] : memref<4x128x128xf32, #tpu.memory_space<vmem>> -> memref<1x128x128xf32, #tpu.memory_space<vmem>>
        %dma_wait3A_271 = tpu.memref_squeeze %dma_wait3A_270 : memref<1x128x128xf32, #tpu.memory_space<vmem>> -> memref<128x128xf32, #tpu.memory_space<vmem>>
        tpu.wait_dma2 semaphore(%arg11 : memref<!tpu.dma_semaphore, #tpu.memory_space<semaphore_mem>>) src(%dma_wait3A_271 : memref<128x128xf32, #tpu.memory_space<vmem>>) dst(%dma_wait3A_267 : memref<128x128xf32, #tpu.memory_space<hbm>>)
        %add3A_272 = arith.constant 4 : i32
        %add3A_273 = arith.addi %add3A_118, %add3A_272 : i32
        %dma_start3A_274 = arith.constant 0 : i32
        %dma_start3A_275 = arith.constant 0 : i32
        %dma_start3A_276 = arith.constant 0 : i32
        %dma_start3A_277 = tpu.memref_slice %arg6[%dma_start3A_274, %dma_start3A_275, %dma_start3A_276] : memref<4x128x128xf32, #tpu.memory_space<vmem>> -> memref<1x128x128xf32, #tpu.memory_space<vmem>>
        %dma_start3A_278 = tpu.memref_squeeze %dma_start3A_277 : memref<1x128x128xf32, #tpu.memory_space<vmem>> -> memref<128x128xf32, #tpu.memory_space<vmem>>
        %dma_start3A_279 = arith.constant 0 : i32
        %dma_start3A_280 = tpu.memref_slice %arg5[%add3A_273, %dma_start3A_279] : memref<200x128xi32, #tpu.memory_space<vmem>> -> memref<1x128xi32, #tpu.memory_space<vmem>>
        %dma_start3A_281 = tpu.memref_squeeze %dma_start3A_280 : memref<1x128xi32, #tpu.memory_space<vmem>> -> memref<128xi32, #tpu.memory_space<vmem>>
        %dma_start3A_282 = arith.constant 0 : i32
        %dma_start3A_283 = arith.constant 0 : i32
        %dma_start3A_284 = tpu.memref_slice %arg2[%dma_start3A_282, %dma_start3A_283] : memref<100000x128xf32, #tpu.memory_space<hbm>> -> memref<100000x128xf32, #tpu.memory_space<hbm>>
        tpu.enqueue_indirect_dma source(%dma_start3A_284 : memref<100000x128xf32, #tpu.memory_space<hbm>>) target(%dma_start3A_278 : memref<128x128xf32, #tpu.memory_space<vmem>>) offsets(%dma_start3A_281 : memref<128xi32, #tpu.memory_space<vmem>>) semaphore(%arg7 : memref<!tpu.dma_semaphore, #tpu.memory_space<semaphore_mem>>)
      } else {
      }
      %mul3A_148 = arith.constant 4 : i32
      %mul3A_149 = arith.muli %scan3A_114, %mul3A_148 : i32
      %add3A_150 = arith.constant 1 : i32
      %add3A_151 = arith.addi %mul3A_149, %add3A_150 : i32
      %dma_wait3A_152 = arith.constant 1 : i32
      %dma_wait3A_153 = arith.constant 0 : i32
      %dma_wait3A_154 = arith.constant 0 : i32
      %dma_wait3A_155 = tpu.memref_slice %arg6[%dma_wait3A_152, %dma_wait3A_153, %dma_wait3A_154] : memref<4x128x128xf32, #tpu.memory_space<vmem>> -> memref<1x128x128xf32, #tpu.memory_space<vmem>>
      %dma_wait3A_156 = tpu.memref_squeeze %dma_wait3A_155 : memref<1x128x128xf32, #tpu.memory_space<vmem>> -> memref<128x128xf32, #tpu.memory_space<vmem>>
      %dma_wait3A_157 = arith.constant 0 : i32
      %dma_wait3A_158 = tpu.memref_slice %arg5[%add3A_151, %dma_wait3A_157] : memref<200x128xi32, #tpu.memory_space<vmem>> -> memref<1x128xi32, #tpu.memory_space<vmem>>
      %dma_wait3A_159 = tpu.memref_squeeze %dma_wait3A_158 : memref<1x128xi32, #tpu.memory_space<vmem>> -> memref<128xi32, #tpu.memory_space<vmem>>
      %dma_wait3A_160 = arith.constant 0 : i32
      %dma_wait3A_161 = arith.constant 0 : i32
      %dma_wait3A_162 = tpu.memref_slice %arg2[%dma_wait3A_160, %dma_wait3A_161] : memref<100000x128xf32, #tpu.memory_space<hbm>> -> memref<100000x128xf32, #tpu.memory_space<hbm>>
      tpu.wait_indirect_dma semaphore(%arg8 : memref<!tpu.dma_semaphore, #tpu.memory_space<semaphore_mem>>) src(%dma_wait3A_162 : memref<100000x128xf32, #tpu.memory_space<hbm>>) dst(%dma_wait3A_156 : memref<128x128xf32, #tpu.memory_space<vmem>>)
      %mul3A_163 = arith.constant 128 : i32
      %mul3A_164 = arith.muli %add3A_151, %mul3A_163 : i32
      %add3A_165 = arith.addi %mul3A_2, %mul3A_164 : i32
      %dma_start3A_166 = arith.constant 1 : i32
      %dma_start3A_167 = arith.constant 0 : i32
      %dma_start3A_168 = arith.constant 0 : i32
      %dma_start3A_169 = tpu.memref_slice %arg6[%dma_start3A_166, %dma_start3A_167, %dma_start3A_168] : memref<4x128x128xf32, #tpu.memory_space<vmem>> -> memref<1x128x128xf32, #tpu.memory_space<vmem>>
      %dma_start3A_170 = tpu.memref_squeeze %dma_start3A_169 : memref<1x128x128xf32, #tpu.memory_space<vmem>> -> memref<128x128xf32, #tpu.memory_space<vmem>>
      %dma_start3A_171 = arith.constant 0 : i32
      %dma_start3A_172 = tpu.memref_slice %arg4[%add3A_165, %dma_start3A_171] : memref<819200x128xf32, #tpu.memory_space<hbm>> -> memref<128x128xf32, #tpu.memory_space<hbm>>
      %dma_start3A_173 = arith.constant 0 : i32
      %dma_start3A_174 = tpu.memref_slice %arg4[%add3A_165, %dma_start3A_173] : memref<819200x128xf32, #tpu.memory_space<hbm>> -> memref<128x128xf32, #tpu.memory_space<hbm>>
      %dma_start3A_175 = arith.constant 0 : i32
      %dma_start3A_176 = arith.constant 0 : i32
      %dma_start3A_177 = tpu.memref_slice %arg6[%dma_start3A_166, %dma_start3A_175, %dma_start3A_176] : memref<4x128x128xf32, #tpu.memory_space<vmem>> -> memref<1x128x128xf32, #tpu.memory_space<vmem>>
      %dma_start3A_178 = tpu.memref_squeeze %dma_start3A_177 : memref<1x128x128xf32, #tpu.memory_space<vmem>> -> memref<128x128xf32, #tpu.memory_space<vmem>>
      tpu.enqueue_dma source(%dma_start3A_178 : memref<128x128xf32, #tpu.memory_space<vmem>>) target(%dma_start3A_174 : memref<128x128xf32, #tpu.memory_space<hbm>>) target_semaphore(%arg12 : memref<!tpu.dma_semaphore, #tpu.memory_space<semaphore_mem>>)
      %lt3A_179 = arith.constant 49 : i32
      %lt3A_180 = arith.cmpi slt, %scan3A_114, %lt3A_179 : i32
      %convert_element_type3A_181 = arith.extui %lt3A_180 : i1 to i32
      %cond3A_182 = arith.constant 0 : i32
      %cond3A_183 = arith.cmpi ne, %convert_element_type3A_181, %cond3A_182 : i32
      scf.if %cond3A_183 {
        %mul3A_256 = arith.constant 128 : i32
        %mul3A_257 = arith.muli %add3A_151, %mul3A_256 : i32
        %add3A_258 = arith.addi %mul3A_2, %mul3A_257 : i32
        %dma_wait3A_259 = arith.constant 1 : i32
        %dma_wait3A_260 = arith.constant 0 : i32
        %dma_wait3A_261 = arith.constant 0 : i32
        %dma_wait3A_262 = tpu.memref_slice %arg6[%dma_wait3A_259, %dma_wait3A_260, %dma_wait3A_261] : memref<4x128x128xf32, #tpu.memory_space<vmem>> -> memref<1x128x128xf32, #tpu.memory_space<vmem>>
        %dma_wait3A_263 = tpu.memref_squeeze %dma_wait3A_262 : memref<1x128x128xf32, #tpu.memory_space<vmem>> -> memref<128x128xf32, #tpu.memory_space<vmem>>
        %dma_wait3A_264 = arith.constant 0 : i32
        %dma_wait3A_265 = tpu.memref_slice %arg4[%add3A_258, %dma_wait3A_264] : memref<819200x128xf32, #tpu.memory_space<hbm>> -> memref<128x128xf32, #tpu.memory_space<hbm>>
        %dma_wait3A_266 = arith.constant 0 : i32
        %dma_wait3A_267 = tpu.memref_slice %arg4[%add3A_258, %dma_wait3A_266] : memref<819200x128xf32, #tpu.memory_space<hbm>> -> memref<128x128xf32, #tpu.memory_space<hbm>>
        %dma_wait3A_268 = arith.constant 0 : i32
        %dma_wait3A_269 = arith.constant 0 : i32
        %dma_wait3A_270 = tpu.memref_slice %arg6[%dma_wait3A_259, %dma_wait3A_268, %dma_wait3A_269] : memref<4x128x128xf32, #tpu.memory_space<vmem>> -> memref<1x128x128xf32, #tpu.memory_space<vmem>>
        %dma_wait3A_271 = tpu.memref_squeeze %dma_wait3A_270 : memref<1x128x128xf32, #tpu.memory_space<vmem>> -> memref<128x128xf32, #tpu.memory_space<vmem>>
        tpu.wait_dma2 semaphore(%arg12 : memref<!tpu.dma_semaphore, #tpu.memory_space<semaphore_mem>>) src(%dma_wait3A_271 : memref<128x128xf32, #tpu.memory_space<vmem>>) dst(%dma_wait3A_267 : memref<128x128xf32, #tpu.memory_space<hbm>>)
        %add3A_272 = arith.constant 4 : i32
        %add3A_273 = arith.addi %add3A_151, %add3A_272 : i32
        %dma_start3A_274 = arith.constant 1 : i32
        %dma_start3A_275 = arith.constant 0 : i32
        %dma_start3A_276 = arith.constant 0 : i32
        %dma_start3A_277 = tpu.memref_slice %arg6[%dma_start3A_274, %dma_start3A_275, %dma_start3A_276] : memref<4x128x128xf32, #tpu.memory_space<vmem>> -> memref<1x128x128xf32, #tpu.memory_space<vmem>>
        %dma_start3A_278 = tpu.memref_squeeze %dma_start3A_277 : memref<1x128x128xf32, #tpu.memory_space<vmem>> -> memref<128x128xf32, #tpu.memory_space<vmem>>
        %dma_start3A_279 = arith.constant 0 : i32
        %dma_start3A_280 = tpu.memref_slice %arg5[%add3A_273, %dma_start3A_279] : memref<200x128xi32, #tpu.memory_space<vmem>> -> memref<1x128xi32, #tpu.memory_space<vmem>>
        %dma_start3A_281 = tpu.memref_squeeze %dma_start3A_280 : memref<1x128xi32, #tpu.memory_space<vmem>> -> memref<128xi32, #tpu.memory_space<vmem>>
        %dma_start3A_282 = arith.constant 0 : i32
        %dma_start3A_283 = arith.constant 0 : i32
        %dma_start3A_284 = tpu.memref_slice %arg2[%dma_start3A_282, %dma_start3A_283] : memref<100000x128xf32, #tpu.memory_space<hbm>> -> memref<100000x128xf32, #tpu.memory_space<hbm>>
        tpu.enqueue_indirect_dma source(%dma_start3A_284 : memref<100000x128xf32, #tpu.memory_space<hbm>>) target(%dma_start3A_278 : memref<128x128xf32, #tpu.memory_space<vmem>>) offsets(%dma_start3A_281 : memref<128xi32, #tpu.memory_space<vmem>>) semaphore(%arg8 : memref<!tpu.dma_semaphore, #tpu.memory_space<semaphore_mem>>)
      } else {
      }
      %mul3A_184 = arith.constant 4 : i32
      %mul3A_185 = arith.muli %scan3A_114, %mul3A_184 : i32
      %add3A_186 = arith.constant 2 : i32
      %add3A_187 = arith.addi %mul3A_185, %add3A_186 : i32
      %dma_wait3A_188 = arith.constant 2 : i32
      %dma_wait3A_189 = arith.constant 0 : i32
      %dma_wait3A_190 = arith.constant 0 : i32
      %dma_wait3A_191 = tpu.memref_slice %arg6[%dma_wait3A_188, %dma_wait3A_189, %dma_wait3A_190] : memref<4x128x128xf32, #tpu.memory_space<vmem>> -> memref<1x128x128xf32, #tpu.memory_space<vmem>>
      %dma_wait3A_192 = tpu.memref_squeeze %dma_wait3A_191 : memref<1x128x128xf32, #tpu.memory_space<vmem>> -> memref<128x128xf32, #tpu.memory_space<vmem>>
      %dma_wait3A_193 = arith.constant 0 : i32
      %dma_wait3A_194 = tpu.memref_slice %arg5[%add3A_187, %dma_wait3A_193] : memref<200x128xi32, #tpu.memory_space<vmem>> -> memref<1x128xi32, #tpu.memory_space<vmem>>
      %dma_wait3A_195 = tpu.memref_squeeze %dma_wait3A_194 : memref<1x128xi32, #tpu.memory_space<vmem>> -> memref<128xi32, #tpu.memory_space<vmem>>
      %dma_wait3A_196 = arith.constant 0 : i32
      %dma_wait3A_197 = arith.constant 0 : i32
      %dma_wait3A_198 = tpu.memref_slice %arg2[%dma_wait3A_196, %dma_wait3A_197] : memref<100000x128xf32, #tpu.memory_space<hbm>> -> memref<100000x128xf32, #tpu.memory_space<hbm>>
      tpu.wait_indirect_dma semaphore(%arg9 : memref<!tpu.dma_semaphore, #tpu.memory_space<semaphore_mem>>) src(%dma_wait3A_198 : memref<100000x128xf32, #tpu.memory_space<hbm>>) dst(%dma_wait3A_192 : memref<128x128xf32, #tpu.memory_space<vmem>>)
      %mul3A_199 = arith.constant 128 : i32
      %mul3A_200 = arith.muli %add3A_187, %mul3A_199 : i32
      %add3A_201 = arith.addi %mul3A_2, %mul3A_200 : i32
      %dma_start3A_202 = arith.constant 2 : i32
      %dma_start3A_203 = arith.constant 0 : i32
      %dma_start3A_204 = arith.constant 0 : i32
      %dma_start3A_205 = tpu.memref_slice %arg6[%dma_start3A_202, %dma_start3A_203, %dma_start3A_204] : memref<4x128x128xf32, #tpu.memory_space<vmem>> -> memref<1x128x128xf32, #tpu.memory_space<vmem>>
      %dma_start3A_206 = tpu.memref_squeeze %dma_start3A_205 : memref<1x128x128xf32, #tpu.memory_space<vmem>> -> memref<128x128xf32, #tpu.memory_space<vmem>>
      %dma_start3A_207 = arith.constant 0 : i32
      %dma_start3A_208 = tpu.memref_slice %arg4[%add3A_201, %dma_start3A_207] : memref<819200x128xf32, #tpu.memory_space<hbm>> -> memref<128x128xf32, #tpu.memory_space<hbm>>
      %dma_start3A_209 = arith.constant 0 : i32
      %dma_start3A_210 = tpu.memref_slice %arg4[%add3A_201, %dma_start3A_209] : memref<819200x128xf32, #tpu.memory_space<hbm>> -> memref<128x128xf32, #tpu.memory_space<hbm>>
      %dma_start3A_211 = arith.constant 0 : i32
      %dma_start3A_212 = arith.constant 0 : i32
      %dma_start3A_213 = tpu.memref_slice %arg6[%dma_start3A_202, %dma_start3A_211, %dma_start3A_212] : memref<4x128x128xf32, #tpu.memory_space<vmem>> -> memref<1x128x128xf32, #tpu.memory_space<vmem>>
      %dma_start3A_214 = tpu.memref_squeeze %dma_start3A_213 : memref<1x128x128xf32, #tpu.memory_space<vmem>> -> memref<128x128xf32, #tpu.memory_space<vmem>>
      tpu.enqueue_dma source(%dma_start3A_214 : memref<128x128xf32, #tpu.memory_space<vmem>>) target(%dma_start3A_210 : memref<128x128xf32, #tpu.memory_space<hbm>>) target_semaphore(%arg13 : memref<!tpu.dma_semaphore, #tpu.memory_space<semaphore_mem>>)
      %lt3A_215 = arith.constant 49 : i32
      %lt3A_216 = arith.cmpi slt, %scan3A_114, %lt3A_215 : i32
      %convert_element_type3A_217 = arith.extui %lt3A_216 : i1 to i32
      %cond3A_218 = arith.constant 0 : i32
      %cond3A_219 = arith.cmpi ne, %convert_element_type3A_217, %cond3A_218 : i32
      scf.if %cond3A_219 {
        %mul3A_256 = arith.constant 128 : i32
        %mul3A_257 = arith.muli %add3A_187, %mul3A_256 : i32
        %add3A_258 = arith.addi %mul3A_2, %mul3A_257 : i32
        %dma_wait3A_259 = arith.constant 2 : i32
        %dma_wait3A_260 = arith.constant 0 : i32
        %dma_wait3A_261 = arith.constant 0 : i32
        %dma_wait3A_262 = tpu.memref_slice %arg6[%dma_wait3A_259, %dma_wait3A_260, %dma_wait3A_261] : memref<4x128x128xf32, #tpu.memory_space<vmem>> -> memref<1x128x128xf32, #tpu.memory_space<vmem>>
        %dma_wait3A_263 = tpu.memref_squeeze %dma_wait3A_262 : memref<1x128x128xf32, #tpu.memory_space<vmem>> -> memref<128x128xf32, #tpu.memory_space<vmem>>
        %dma_wait3A_264 = arith.constant 0 : i32
        %dma_wait3A_265 = tpu.memref_slice %arg4[%add3A_258, %dma_wait3A_264] : memref<819200x128xf32, #tpu.memory_space<hbm>> -> memref<128x128xf32, #tpu.memory_space<hbm>>
        %dma_wait3A_266 = arith.constant 0 : i32
        %dma_wait3A_267 = tpu.memref_slice %arg4[%add3A_258, %dma_wait3A_266] : memref<819200x128xf32, #tpu.memory_space<hbm>> -> memref<128x128xf32, #tpu.memory_space<hbm>>
        %dma_wait3A_268 = arith.constant 0 : i32
        %dma_wait3A_269 = arith.constant 0 : i32
        %dma_wait3A_270 = tpu.memref_slice %arg6[%dma_wait3A_259, %dma_wait3A_268, %dma_wait3A_269] : memref<4x128x128xf32, #tpu.memory_space<vmem>> -> memref<1x128x128xf32, #tpu.memory_space<vmem>>
        %dma_wait3A_271 = tpu.memref_squeeze %dma_wait3A_270 : memref<1x128x128xf32, #tpu.memory_space<vmem>> -> memref<128x128xf32, #tpu.memory_space<vmem>>
        tpu.wait_dma2 semaphore(%arg13 : memref<!tpu.dma_semaphore, #tpu.memory_space<semaphore_mem>>) src(%dma_wait3A_271 : memref<128x128xf32, #tpu.memory_space<vmem>>) dst(%dma_wait3A_267 : memref<128x128xf32, #tpu.memory_space<hbm>>)
        %add3A_272 = arith.constant 4 : i32
        %add3A_273 = arith.addi %add3A_187, %add3A_272 : i32
        %dma_start3A_274 = arith.constant 2 : i32
        %dma_start3A_275 = arith.constant 0 : i32
        %dma_start3A_276 = arith.constant 0 : i32
        %dma_start3A_277 = tpu.memref_slice %arg6[%dma_start3A_274, %dma_start3A_275, %dma_start3A_276] : memref<4x128x128xf32, #tpu.memory_space<vmem>> -> memref<1x128x128xf32, #tpu.memory_space<vmem>>
        %dma_start3A_278 = tpu.memref_squeeze %dma_start3A_277 : memref<1x128x128xf32, #tpu.memory_space<vmem>> -> memref<128x128xf32, #tpu.memory_space<vmem>>
        %dma_start3A_279 = arith.constant 0 : i32
        %dma_start3A_280 = tpu.memref_slice %arg5[%add3A_273, %dma_start3A_279] : memref<200x128xi32, #tpu.memory_space<vmem>> -> memref<1x128xi32, #tpu.memory_space<vmem>>
        %dma_start3A_281 = tpu.memref_squeeze %dma_start3A_280 : memref<1x128xi32, #tpu.memory_space<vmem>> -> memref<128xi32, #tpu.memory_space<vmem>>
        %dma_start3A_282 = arith.constant 0 : i32
        %dma_start3A_283 = arith.constant 0 : i32
        %dma_start3A_284 = tpu.memref_slice %arg2[%dma_start3A_282, %dma_start3A_283] : memref<100000x128xf32, #tpu.memory_space<hbm>> -> memref<100000x128xf32, #tpu.memory_space<hbm>>
        tpu.enqueue_indirect_dma source(%dma_start3A_284 : memref<100000x128xf32, #tpu.memory_space<hbm>>) target(%dma_start3A_278 : memref<128x128xf32, #tpu.memory_space<vmem>>) offsets(%dma_start3A_281 : memref<128xi32, #tpu.memory_space<vmem>>) semaphore(%arg9 : memref<!tpu.dma_semaphore, #tpu.memory_space<semaphore_mem>>)
      } else {
      }
      %mul3A_220 = arith.constant 4 : i32
      %mul3A_221 = arith.muli %scan3A_114, %mul3A_220 : i32
      %add3A_222 = arith.constant 3 : i32
      %add3A_223 = arith.addi %mul3A_221, %add3A_222 : i32
      %dma_wait3A_224 = arith.constant 3 : i32
      %dma_wait3A_225 = arith.constant 0 : i32
      %dma_wait3A_226 = arith.constant 0 : i32
      %dma_wait3A_227 = tpu.memref_slice %arg6[%dma_wait3A_224, %dma_wait3A_225, %dma_wait3A_226] : memref<4x128x128xf32, #tpu.memory_space<vmem>> -> memref<1x128x128xf32, #tpu.memory_space<vmem>>
      %dma_wait3A_228 = tpu.memref_squeeze %dma_wait3A_227 : memref<1x128x128xf32, #tpu.memory_space<vmem>> -> memref<128x128xf32, #tpu.memory_space<vmem>>
      %dma_wait3A_229 = arith.constant 0 : i32
      %dma_wait3A_230 = tpu.memref_slice %arg5[%add3A_223, %dma_wait3A_229] : memref<200x128xi32, #tpu.memory_space<vmem>> -> memref<1x128xi32, #tpu.memory_space<vmem>>
      %dma_wait3A_231 = tpu.memref_squeeze %dma_wait3A_230 : memref<1x128xi32, #tpu.memory_space<vmem>> -> memref<128xi32, #tpu.memory_space<vmem>>
      %dma_wait3A_232 = arith.constant 0 : i32
      %dma_wait3A_233 = arith.constant 0 : i32
      %dma_wait3A_234 = tpu.memref_slice %arg2[%dma_wait3A_232, %dma_wait3A_233] : memref<100000x128xf32, #tpu.memory_space<hbm>> -> memref<100000x128xf32, #tpu.memory_space<hbm>>
      tpu.wait_indirect_dma semaphore(%arg10 : memref<!tpu.dma_semaphore, #tpu.memory_space<semaphore_mem>>) src(%dma_wait3A_234 : memref<100000x128xf32, #tpu.memory_space<hbm>>) dst(%dma_wait3A_228 : memref<128x128xf32, #tpu.memory_space<vmem>>)
      %mul3A_235 = arith.constant 128 : i32
      %mul3A_236 = arith.muli %add3A_223, %mul3A_235 : i32
      %add3A_237 = arith.addi %mul3A_2, %mul3A_236 : i32
      %dma_start3A_238 = arith.constant 3 : i32
      %dma_start3A_239 = arith.constant 0 : i32
      %dma_start3A_240 = arith.constant 0 : i32
      %dma_start3A_241 = tpu.memref_slice %arg6[%dma_start3A_238, %dma_start3A_239, %dma_start3A_240] : memref<4x128x128xf32, #tpu.memory_space<vmem>> -> memref<1x128x128xf32, #tpu.memory_space<vmem>>
      %dma_start3A_242 = tpu.memref_squeeze %dma_start3A_241 : memref<1x128x128xf32, #tpu.memory_space<vmem>> -> memref<128x128xf32, #tpu.memory_space<vmem>>
      %dma_start3A_243 = arith.constant 0 : i32
      %dma_start3A_244 = tpu.memref_slice %arg4[%add3A_237, %dma_start3A_243] : memref<819200x128xf32, #tpu.memory_space<hbm>> -> memref<128x128xf32, #tpu.memory_space<hbm>>
      %dma_start3A_245 = arith.constant 0 : i32
      %dma_start3A_246 = tpu.memref_slice %arg4[%add3A_237, %dma_start3A_245] : memref<819200x128xf32, #tpu.memory_space<hbm>> -> memref<128x128xf32, #tpu.memory_space<hbm>>
      %dma_start3A_247 = arith.constant 0 : i32
      %dma_start3A_248 = arith.constant 0 : i32
      %dma_start3A_249 = tpu.memref_slice %arg6[%dma_start3A_238, %dma_start3A_247, %dma_start3A_248] : memref<4x128x128xf32, #tpu.memory_space<vmem>> -> memref<1x128x128xf32, #tpu.memory_space<vmem>>
      %dma_start3A_250 = tpu.memref_squeeze %dma_start3A_249 : memref<1x128x128xf32, #tpu.memory_space<vmem>> -> memref<128x128xf32, #tpu.memory_space<vmem>>
      tpu.enqueue_dma source(%dma_start3A_250 : memref<128x128xf32, #tpu.memory_space<vmem>>) target(%dma_start3A_246 : memref<128x128xf32, #tpu.memory_space<hbm>>) target_semaphore(%arg14 : memref<!tpu.dma_semaphore, #tpu.memory_space<semaphore_mem>>)
      %lt3A_251 = arith.constant 49 : i32
      %lt3A_252 = arith.cmpi slt, %scan3A_114, %lt3A_251 : i32
      %convert_element_type3A_253 = arith.extui %lt3A_252 : i1 to i32
      %cond3A_254 = arith.constant 0 : i32
      %cond3A_255 = arith.cmpi ne, %convert_element_type3A_253, %cond3A_254 : i32
      scf.if %cond3A_255 {
        %mul3A_256 = arith.constant 128 : i32
        %mul3A_257 = arith.muli %add3A_223, %mul3A_256 : i32
        %add3A_258 = arith.addi %mul3A_2, %mul3A_257 : i32
        %dma_wait3A_259 = arith.constant 3 : i32
        %dma_wait3A_260 = arith.constant 0 : i32
        %dma_wait3A_261 = arith.constant 0 : i32
        %dma_wait3A_262 = tpu.memref_slice %arg6[%dma_wait3A_259, %dma_wait3A_260, %dma_wait3A_261] : memref<4x128x128xf32, #tpu.memory_space<vmem>> -> memref<1x128x128xf32, #tpu.memory_space<vmem>>
        %dma_wait3A_263 = tpu.memref_squeeze %dma_wait3A_262 : memref<1x128x128xf32, #tpu.memory_space<vmem>> -> memref<128x128xf32, #tpu.memory_space<vmem>>
        %dma_wait3A_264 = arith.constant 0 : i32
        %dma_wait3A_265 = tpu.memref_slice %arg4[%add3A_258, %dma_wait3A_264] : memref<819200x128xf32, #tpu.memory_space<hbm>> -> memref<128x128xf32, #tpu.memory_space<hbm>>
        %dma_wait3A_266 = arith.constant 0 : i32
        %dma_wait3A_267 = tpu.memref_slice %arg4[%add3A_258, %dma_wait3A_266] : memref<819200x128xf32, #tpu.memory_space<hbm>> -> memref<128x128xf32, #tpu.memory_space<hbm>>
        %dma_wait3A_268 = arith.constant 0 : i32
        %dma_wait3A_269 = arith.constant 0 : i32
        %dma_wait3A_270 = tpu.memref_slice %arg6[%dma_wait3A_259, %dma_wait3A_268, %dma_wait3A_269] : memref<4x128x128xf32, #tpu.memory_space<vmem>> -> memref<1x128x128xf32, #tpu.memory_space<vmem>>
        %dma_wait3A_271 = tpu.memref_squeeze %dma_wait3A_270 : memref<1x128x128xf32, #tpu.memory_space<vmem>> -> memref<128x128xf32, #tpu.memory_space<vmem>>
        tpu.wait_dma2 semaphore(%arg14 : memref<!tpu.dma_semaphore, #tpu.memory_space<semaphore_mem>>) src(%dma_wait3A_271 : memref<128x128xf32, #tpu.memory_space<vmem>>) dst(%dma_wait3A_267 : memref<128x128xf32, #tpu.memory_space<hbm>>)
        %add3A_272 = arith.constant 4 : i32
        %add3A_273 = arith.addi %add3A_223, %add3A_272 : i32
        %dma_start3A_274 = arith.constant 3 : i32
        %dma_start3A_275 = arith.constant 0 : i32
        %dma_start3A_276 = arith.constant 0 : i32
        %dma_start3A_277 = tpu.memref_slice %arg6[%dma_start3A_274, %dma_start3A_275, %dma_start3A_276] : memref<4x128x128xf32, #tpu.memory_space<vmem>> -> memref<1x128x128xf32, #tpu.memory_space<vmem>>
        %dma_start3A_278 = tpu.memref_squeeze %dma_start3A_277 : memref<1x128x128xf32, #tpu.memory_space<vmem>> -> memref<128x128xf32, #tpu.memory_space<vmem>>
        %dma_start3A_279 = arith.constant 0 : i32
        %dma_start3A_280 = tpu.memref_slice %arg5[%add3A_273, %dma_start3A_279] : memref<200x128xi32, #tpu.memory_space<vmem>> -> memref<1x128xi32, #tpu.memory_space<vmem>>
        %dma_start3A_281 = tpu.memref_squeeze %dma_start3A_280 : memref<1x128xi32, #tpu.memory_space<vmem>> -> memref<128xi32, #tpu.memory_space<vmem>>
        %dma_start3A_282 = arith.constant 0 : i32
        %dma_start3A_283 = arith.constant 0 : i32
        %dma_start3A_284 = tpu.memref_slice %arg2[%dma_start3A_282, %dma_start3A_283] : memref<100000x128xf32, #tpu.memory_space<hbm>> -> memref<100000x128xf32, #tpu.memory_space<hbm>>
        tpu.enqueue_indirect_dma source(%dma_start3A_284 : memref<100000x128xf32, #tpu.memory_space<hbm>>) target(%dma_start3A_278 : memref<128x128xf32, #tpu.memory_space<vmem>>) offsets(%dma_start3A_281 : memref<128xi32, #tpu.memory_space<vmem>>) semaphore(%arg10 : memref<!tpu.dma_semaphore, #tpu.memory_space<semaphore_mem>>)
      } else {
      }
    }
    %scan3A_54 = arith.constant 50 : i32
    %add3A_55 = arith.constant 25088 : i32
    %add3A_56 = arith.addi %mul3A_2, %add3A_55 : i32
    %dma_wait3A = arith.constant 0 : i32
    %dma_wait3A_57 = arith.constant 0 : i32
    %dma_wait3A_58 = arith.constant 0 : i32
    %dma_wait3A_59 = tpu.memref_slice %arg6[%dma_wait3A, %dma_wait3A_57, %dma_wait3A_58] : memref<4x128x128xf32, #tpu.memory_space<vmem>> -> memref<1x128x128xf32, #tpu.memory_space<vmem>>
    %dma_wait3A_60 = tpu.memref_squeeze %dma_wait3A_59 : memref<1x128x128xf32, #tpu.memory_space<vmem>> -> memref<128x128xf32, #tpu.memory_space<vmem>>
    %dma_wait3A_61 = arith.constant 0 : i32
    %dma_wait3A_62 = tpu.memref_slice %arg4[%add3A_56, %dma_wait3A_61] : memref<819200x128xf32, #tpu.memory_space<hbm>> -> memref<128x128xf32, #tpu.memory_space<hbm>>
    %dma_wait3A_63 = arith.constant 0 : i32
    %dma_wait3A_64 = tpu.memref_slice %arg4[%add3A_56, %dma_wait3A_63] : memref<819200x128xf32, #tpu.memory_space<hbm>> -> memref<128x128xf32, #tpu.memory_space<hbm>>
    %dma_wait3A_65 = arith.constant 0 : i32
    %dma_wait3A_66 = arith.constant 0 : i32
    %dma_wait3A_67 = tpu.memref_slice %arg6[%dma_wait3A, %dma_wait3A_65, %dma_wait3A_66] : memref<4x128x128xf32, #tpu.memory_space<vmem>> -> memref<1x128x128xf32, #tpu.memory_space<vmem>>
    %dma_wait3A_68 = tpu.memref_squeeze %dma_wait3A_67 : memref<1x128x128xf32, #tpu.memory_space<vmem>> -> memref<128x128xf32, #tpu.memory_space<vmem>>
    tpu.wait_dma2 semaphore(%arg11 : memref<!tpu.dma_semaphore, #tpu.memory_space<semaphore_mem>>) src(%dma_wait3A_68 : memref<128x128xf32, #tpu.memory_space<vmem>>) dst(%dma_wait3A_64 : memref<128x128xf32, #tpu.memory_space<hbm>>)
    %add3A_69 = arith.constant 25216 : i32
    %add3A_70 = arith.addi %mul3A_2, %add3A_69 : i32
    %dma_wait3A_71 = arith.constant 1 : i32
    %dma_wait3A_72 = arith.constant 0 : i32
    %dma_wait3A_73 = arith.constant 0 : i32
    %dma_wait3A_74 = tpu.memref_slice %arg6[%dma_wait3A_71, %dma_wait3A_72, %dma_wait3A_73] : memref<4x128x128xf32, #tpu.memory_space<vmem>> -> memref<1x128x128xf32, #tpu.memory_space<vmem>>
    %dma_wait3A_75 = tpu.memref_squeeze %dma_wait3A_74 : memref<1x128x128xf32, #tpu.memory_space<vmem>> -> memref<128x128xf32, #tpu.memory_space<vmem>>
    %dma_wait3A_76 = arith.constant 0 : i32
    %dma_wait3A_77 = tpu.memref_slice %arg4[%add3A_70, %dma_wait3A_76] : memref<819200x128xf32, #tpu.memory_space<hbm>> -> memref<128x128xf32, #tpu.memory_space<hbm>>
    %dma_wait3A_78 = arith.constant 0 : i32
    %dma_wait3A_79 = tpu.memref_slice %arg4[%add3A_70, %dma_wait3A_78] : memref<819200x128xf32, #tpu.memory_space<hbm>> -> memref<128x128xf32, #tpu.memory_space<hbm>>
    %dma_wait3A_80 = arith.constant 0 : i32
    %dma_wait3A_81 = arith.constant 0 : i32
    %dma_wait3A_82 = tpu.memref_slice %arg6[%dma_wait3A_71, %dma_wait3A_80, %dma_wait3A_81] : memref<4x128x128xf32, #tpu.memory_space<vmem>> -> memref<1x128x128xf32, #tpu.memory_space<vmem>>
    %dma_wait3A_83 = tpu.memref_squeeze %dma_wait3A_82 : memref<1x128x128xf32, #tpu.memory_space<vmem>> -> memref<128x128xf32, #tpu.memory_space<vmem>>
    tpu.wait_dma2 semaphore(%arg12 : memref<!tpu.dma_semaphore, #tpu.memory_space<semaphore_mem>>) src(%dma_wait3A_83 : memref<128x128xf32, #tpu.memory_space<vmem>>) dst(%dma_wait3A_79 : memref<128x128xf32, #tpu.memory_space<hbm>>)
    %add3A_84 = arith.constant 25344 : i32
    %add3A_85 = arith.addi %mul3A_2, %add3A_84 : i32
    %dma_wait3A_86 = arith.constant 2 : i32
    %dma_wait3A_87 = arith.constant 0 : i32
    %dma_wait3A_88 = arith.constant 0 : i32
    %dma_wait3A_89 = tpu.memref_slice %arg6[%dma_wait3A_86, %dma_wait3A_87, %dma_wait3A_88] : memref<4x128x128xf32, #tpu.memory_space<vmem>> -> memref<1x128x128xf32, #tpu.memory_space<vmem>>
    %dma_wait3A_90 = tpu.memref_squeeze %dma_wait3A_89 : memref<1x128x128xf32, #tpu.memory_space<vmem>> -> memref<128x128xf32, #tpu.memory_space<vmem>>
    %dma_wait3A_91 = arith.constant 0 : i32
    %dma_wait3A_92 = tpu.memref_slice %arg4[%add3A_85, %dma_wait3A_91] : memref<819200x128xf32, #tpu.memory_space<hbm>> -> memref<128x128xf32, #tpu.memory_space<hbm>>
    %dma_wait3A_93 = arith.constant 0 : i32
    %dma_wait3A_94 = tpu.memref_slice %arg4[%add3A_85, %dma_wait3A_93] : memref<819200x128xf32, #tpu.memory_space<hbm>> -> memref<128x128xf32, #tpu.memory_space<hbm>>
    %dma_wait3A_95 = arith.constant 0 : i32
    %dma_wait3A_96 = arith.constant 0 : i32
    %dma_wait3A_97 = tpu.memref_slice %arg6[%dma_wait3A_86, %dma_wait3A_95, %dma_wait3A_96] : memref<4x128x128xf32, #tpu.memory_space<vmem>> -> memref<1x128x128xf32, #tpu.memory_space<vmem>>
    %dma_wait3A_98 = tpu.memref_squeeze %dma_wait3A_97 : memref<1x128x128xf32, #tpu.memory_space<vmem>> -> memref<128x128xf32, #tpu.memory_space<vmem>>
    tpu.wait_dma2 semaphore(%arg13 : memref<!tpu.dma_semaphore, #tpu.memory_space<semaphore_mem>>) src(%dma_wait3A_98 : memref<128x128xf32, #tpu.memory_space<vmem>>) dst(%dma_wait3A_94 : memref<128x128xf32, #tpu.memory_space<hbm>>)
    %add3A_99 = arith.constant 25472 : i32
    %add3A_100 = arith.addi %mul3A_2, %add3A_99 : i32
    %dma_wait3A_101 = arith.constant 3 : i32
    %dma_wait3A_102 = arith.constant 0 : i32
    %dma_wait3A_103 = arith.constant 0 : i32
    %dma_wait3A_104 = tpu.memref_slice %arg6[%dma_wait3A_101, %dma_wait3A_102, %dma_wait3A_103] : memref<4x128x128xf32, #tpu.memory_space<vmem>> -> memref<1x128x128xf32, #tpu.memory_space<vmem>>
    %dma_wait3A_105 = tpu.memref_squeeze %dma_wait3A_104 : memref<1x128x128xf32, #tpu.memory_space<vmem>> -> memref<128x128xf32, #tpu.memory_space<vmem>>
    %dma_wait3A_106 = arith.constant 0 : i32
    %dma_wait3A_107 = tpu.memref_slice %arg4[%add3A_100, %dma_wait3A_106] : memref<819200x128xf32, #tpu.memory_space<hbm>> -> memref<128x128xf32, #tpu.memory_space<hbm>>
    %dma_wait3A_108 = arith.constant 0 : i32
    %dma_wait3A_109 = tpu.memref_slice %arg4[%add3A_100, %dma_wait3A_108] : memref<819200x128xf32, #tpu.memory_space<hbm>> -> memref<128x128xf32, #tpu.memory_space<hbm>>
    %dma_wait3A_110 = arith.constant 0 : i32
    %dma_wait3A_111 = arith.constant 0 : i32
    %dma_wait3A_112 = tpu.memref_slice %arg6[%dma_wait3A_101, %dma_wait3A_110, %dma_wait3A_111] : memref<4x128x128xf32, #tpu.memory_space<vmem>> -> memref<1x128x128xf32, #tpu.memory_space<vmem>>
    %dma_wait3A_113 = tpu.memref_squeeze %dma_wait3A_112 : memref<1x128x128xf32, #tpu.memory_space<vmem>> -> memref<128x128xf32, #tpu.memory_space<vmem>>
    tpu.wait_dma2 semaphore(%arg14 : memref<!tpu.dma_semaphore, #tpu.memory_space<semaphore_mem>>) src(%dma_wait3A_113 : memref<128x128xf32, #tpu.memory_space<vmem>>) dst(%dma_wait3A_109 : memref<128x128xf32, #tpu.memory_space<hbm>>)
    return
  }
}

</mosaic_0001>

<sc_bundles>
// kernel: kernel.3.cloned.1.call-start
scs
__scs_entry_jumppad:
0x0: {  	(pc) =	sbr.rel $0x88, $3  }
0x1: {  	(tag) =	ssettag $0x0;
	lr =	simm.s32 $0x1  }
0x2: {  	[smem:$0x3F9F] =	sst lr;
	_ =	strace $0xD0000000  }
0x3: {  	_ = 	snop  }
0x4: {  	_ = 	snop  }
0x5: {  	_ = 	snop  }
0x6: {  	_ = 	snop  }
0x7: {  	_ = 	snop  }
__scs_overlays_trampoline_lowered:
0x8: {  	[smem:$0x3FAE] =	sst s0  }
0x9: {  	[smem:$0x3FAF] =	sst s1  }
0xa: {  	[smem:$0x3FB0] =	sst s2  }
0xb: {  	[smem:$0x3FB1] =	sst s3  }
0xc: {  	[smem:$0x3FB2] =	sst s4  }
0xd: {  	[smem:$0x3FB3] =	sst s5  }
0xe: {  	[smem:$0x3FB4] =	sst s6  }
0xf: {  	[smem:$0x3FB5] =	sst s7  }
0x10: {  	[smem:$0x3FB6] =	sst s8  }
0x11: {  	[smem:$0x3FB7] =	sst s9;
	s0 =	simm.s32 @!p0 $0x0  }
0x12: {  	s1 =	sld [smem:$0x3F9D];
	s0 =	simm.s32 @p0 $0x1  }
0x13: {  	[smem:$0x3FB8] =	sst s0;
	s0 =	simm.s32 @!p1 $0x0  }
0x14: {  	s2 =	sld [smem:$0x3F9C];
	s0 =	simm.s32 @p1 $0x1  }
0x15: {  	[smem:$0x3FB9] =	sst s0;
	s0 =	simm.s32 @!p2 $0x0  }
0x16: {  	s3 =	sld [smem:$0x3FDB];
	s0 =	simm.s32 @p2 $0x1  }
0x17: {  	s4 =	simm.s32 $0x1BF5;
	[smem:$0x3FBB] =	sst s0  }
0x18: {  	s0 =	sld [smem:$0x3F9E];
	_ =	swait.ge [sflag:s4], $0x0  }
0x19: {  	s7 =	sld [smem:$0x3F9F]  }
0x1a: {  	s8 =	sadd.s32 $0xFFFFE003, lr  }
0x1b: {  	s9 =	sadd.s32 $0xFFFFFEF7, lr;
	s5 =	simm.s32 $0xFFFFFFFF;
	p2 =	slt.u32 s8, $0xFFFFF086  }
0x1c: {  	p1 =	slt.u32 s9, $0xF7A;
	s5 =	simm.s32 @!p2 $0x0  }
0x1d: {  	s5 =	simm.s32 @p1 $0x1;
	p0 =	seq.s32 s7, s2  }
0x1e: {  	s7 =	smul.u32 @!p0 $0xF7A, s2;
	p2 =	seq.s32 @!p0 s5, $0x0  }
0x1f: {  	s9 =	smul.u32 $0xF7A, s1;
	s8 =	simm.s32 @!p0 $0x1BF5;
	p2 =	por !p2, p0  }
0x20: {  	[sflag:s8] =	ssyncset.s32 @!p0 $0xFFFFF086;
	s6 =	sadd.s32 @!p0 s3, s7;
	s7 =	simm.s32 @!p0 $0x108  }
0x21: {  	s3 =	sadd.s32 s3, s9;
	s6 =	sadd.s32 @!p0 $0x88, s6;
	s7 =	simm.s32 @p2 $0x1082  }
0x22: {  	[simem:s7], [sflag:s8] =	dma.local @!p0 [hbm:s6], $0xF7A  }
0x23: {  	s9 =	sor.u32 $0xD0000000, s2;
	s6 =	simm.s32 $0x108;
	_ =	swait.ge @!p0 [sflag:s8], $0x0  }
0x24: {  	s3 =	sadd.s32 $0x88, s3;
	s6 =	simm.s32 @!p1 $0x1082;
	[sflag:s4] =	ssyncset.s32 $0xFFFFF086  }
0x25: {  	[simem:s6], [sflag:s4] =	dma.local [hbm:s3], $0xF7A  }
0x26: {  	[smem:$0x3F9F] =	sst s1;
	(tag) =	ssettag s2;
	_ =	strace s9  }
0x27: {  	s1 =	sld [smem:$0x3FAF]  }
0x28: {  	s2 =	sld [smem:$0x3FB0]  }
0x29: {  	s4 =	sld [smem:$0x3FB2]  }
0x2a: {  	p0 =	seq.s32 s5, $0x0;
	s5 =	sld [smem:$0x3FB3]  }
0x2b: {  	s6 =	sld [smem:$0x3FB4]  }
0x2c: {  	s7 =	sld [smem:$0x3FB5]  }
0x2d: {  	s3 =	simm.s32 $0x108;
	s8 =	sld [smem:$0x3FB6]  }
0x2e: {  	s3 =	simm.s32 @!p0 $0x1082;
	s9 =	sld [smem:$0x3FB7]  }
0x2f: {  	lr =	sadd.s32 s0, s3;
	s0 =	sld [smem:$0x3FAE]  }
0x30: {  	s3 =	sld [smem:$0x3FB1]  }
0x31: {  	[smem:$0x3FBA] =	sst s10  }
0x32: {  	s10 =	sld [smem:$0x3FB8];
	_ =	sdelay $0x3  }
0x33: {  	p0 =	seq.s32 s10, $0x1;
	s10 =	sld [smem:$0x3FBA];
	_ =	sdelay $0x3  }
0x34: {  	[smem:$0x3FBA] =	sst s10  }
0x35: {  	s10 =	sld [smem:$0x3FB9];
	_ =	sdelay $0x3  }
0x36: {  	p1 =	seq.s32 s10, $0x1;
	s10 =	sld [smem:$0x3FBA];
	_ =	sdelay $0x3  }
0x37: {  	[smem:$0x3FBA] =	sst s10  }
0x38: {  	s10 =	sld [smem:$0x3FBB]  }
0x39: {  	_ = 	snop;
	(pc) =	sbr.ind lr, $3  }
0x3a: {  	_ = 	snop  }
0x3b: {  	_ = 	snop  }
0x3c: {  	p2 =	seq.s32 s10, $0x1;
	s10 =	sld [smem:$0x3FBA]  }
0x3d: {  	_ =	shalt  }
0x3e: {  	_ =	shalt  }
0x3f: {  	_ =	shalt  }
0x40: {  	_ =	shalt  }
0x41: {  	_ =	shalt  }
0x42: {  	_ =	shalt  }
0x43: {  	_ =	shalt  }
0x44: {  	_ =	shalt  }
0x45: {  	_ =	shalt  }
0x46: {  	_ =	shalt  }
0x47: {  	_ =	shalt  }
0x48: {  	_ =	shalt  }
0x49: {  	_ =	shalt  }
0x4a: {  	_ =	shalt  }
0x4b: {  	_ =	shalt  }
0x4c: {  	_ =	shalt  }
0x4d: {  	_ =	shalt  }
0x4e: {  	_ =	shalt  }
0x4f: {  	_ =	shalt  }
0x50: {  	_ =	shalt  }
0x51: {  	_ =	shalt  }
0x52: {  	_ =	shalt  }
0x53: {  	_ =	shalt  }
0x54: {  	_ =	shalt  }
0x55: {  	_ =	shalt  }
0x56: {  	_ =	shalt  }
0x57: {  	_ =	shalt  }
0x58: {  	_ =	shalt  }
0x59: {  	_ =	shalt  }
0x5a: {  	_ =	shalt  }
0x5b: {  	_ =	shalt  }
0x5c: {  	_ =	shalt  }
0x5d: {  	_ =	shalt  }
0x5e: {  	_ =	shalt  }
0x5f: {  	_ =	shalt  }
0x60: {  	_ =	shalt  }
0x61: {  	_ =	shalt  }
0x62: {  	_ =	shalt  }
0x63: {  	_ =	shalt  }
0x64: {  	_ =	shalt  }
0x65: {  	_ =	shalt  }
0x66: {  	_ =	shalt  }
0x67: {  	_ =	shalt  }
0x68: {  	_ =	shalt  }
0x69: {  	_ =	shalt  }
0x6a: {  	_ =	shalt  }
0x6b: {  	_ =	shalt  }
0x6c: {  	_ =	shalt  }
0x6d: {  	_ =	shalt  }
0x6e: {  	_ =	shalt  }
0x6f: {  	_ =	shalt  }
0x70: {  	_ =	shalt  }
0x71: {  	_ =	shalt  }
0x72: {  	_ =	shalt  }
0x73: {  	_ =	shalt  }
0x74: {  	_ =	shalt  }
0x75: {  	_ =	shalt  }
0x76: {  	_ =	shalt  }
0x77: {  	_ =	shalt  }
0x78: {  	_ =	shalt  }
0x79: {  	_ =	shalt  }
0x7a: {  	_ =	shalt  }
0x7b: {  	_ =	shalt  }
0x7c: {  	_ =	shalt  }
0x7d: {  	_ =	shalt  }
0x7e: {  	_ =	shalt  }
0x7f: {  	_ =	shalt  }
0x80: {  	_ =	shalt  }
0x81: {  	_ =	shalt  }
0x82: {  	_ =	shalt  }
0x83: {  	_ =	shalt  }
0x84: {  	_ =	shalt  }
0x85: {  	_ =	shalt  }
0x86: {  	_ =	shalt  }
0x87: {  	_ =	shalt  }
.Lfunc_end0:
.L_simem_size_0:
called_computation_lowered:
.L_overlay_start_0:
0x88: {  	s2 =	sld [smem:$0x3FD9]  }
0x89: {  	s3 =	sld [smem:$0x3FFE];
	_ =	sdelay $0x1  }
0x8a: {  	s1 =	srdreg.scid  }
0x8b: {  	s0 =	sand.u32 $0x1, s1  }
0x8c: {  	s17 =	sshll.u32 s0, $0xA;
	s2 =	sadd.s32 s3, s2  }
0x8d: {  	s2 =	sadd.s32 s2, s17  }
0x8e: {  	[smem:$0x3FC6] =	sst s2  }
0x8f: {  	_ = 	snop  }
0x90: {  	s2 =	sld [smem:$0x3FC8]  }
0x91: {  	s18 =	sld [smem:$0x3FD0];
	(tm) =	ssettm $0x1  }
0x92: {  	s4 =	sld [smem:$0x3FFB];
	_ =	sdelay $0x3  }
0x93: {  	_ =	strace s4  }
0x94: {  	s4 =	sld [smem:$0x3FFC];
	_ =	sdelay $0x3  }
0x95: {  	_ =	strace s4  }
0x96: {  	s4 =	sld [smem:$0x3FFD];
	_ =	sdelay $0x3  }
0x97: {  	_ =	strace s4  }
0x98: {  	_ =	strace $0x8FFFFFFF  }
0x99: {  	s19 =	sld [smem:$0x3FDB];
	_ =	sdelay $0x1  }
0x9a: {  	s5 =	simm.s32 $_scs_section_size  }
0x9b: {  	s6 =	simm.s32 $_size__tile_overlayer_lowered;
	s7 =	simm.s32 $_tile_overlayer_lowered  }
0x9c: {  	s22 =	simm.s32 $0x1BFF;
	s21 =	sshll.u32 s7, $0x1;
	s4 =	sadd.s32 s5, s19  }
0x9d: {  	s8 =	simm.s32 $0x0;
	s20 =	sshll.u32 s6, $0x1;
	s6 =	sadd.s32 s21, s4  }
0x9e: {  	[timem:s8], [sflag:s22] =	dma.local [hbm:s6], s20  }
0x9f: {  	_ =	swait.ge [sflag:s22], s20  }
0xa0: {  	s5 =	ssub.s32 $0x0, s20;
	[sflag:s22] =	ssyncset.done $0x0  }
0xa1: {  	[sflag:s22] =	ssyncadd.s32 s5;
	_ =	sdelay $0x1  }
0xa2: {  	s23 =	simm.s32 $0x1B8B  }
0xa3: {  	_ =	swait.ge [sflag:s23], $0x1  }
0xa4: {  	[sflag:s23] =	ssyncset.done $0x0  }
0xa5: {  	s25 =	simm.s32 $0x1B8E;
	s24 =	sld [smem:$0x3FFE];
	[sflag:s23] =	ssyncadd.s32 $0xFFFFFFFF  }
0xa6: {  	s26 =	simm.s32 $execute0_lowered;
	[smem:$0x3FD2] =	sst s25  }
0xa7: {  	s6 =	sshll.u32 s26, $0x1;
	_ =	strace $0x80000046;
	[dreg:$0x1] =	wrdreg $0xFFFFFFFF  }
0xa8: {  	s28 =	simm.s32 $_size_execute0_lowered;
	s4 =	sadd.s32 s4, s6;
	[dreg:$0x0] =	wrdreg $0x0  }
0xa9: {  	s6 =	sshll.u32 s28, $0x1;
	[dreg:$0x2] =	wrdreg s4  }
0xaa: {  	[dreg:$0x3] =	wrdreg s6  }
0xab: {  	[dreg:$0x4] =	wrdreg $0xC0  }
0xac: {  	_ =	task [dreg:s8], $0x5FFFF  }
0xad: {  	[dreg:$0x1] =	wrdreg $0xFFFFFFFF  }
0xae: {  	[dreg:$0x0] =	wrdreg $0x60  }
0xaf: {  	[dreg:$0x2] =	wrdreg s2  }
0xb0: {  	[dreg:$0x3] =	wrdreg s24  }
0xb1: {  	[dreg:$0x4] =	wrdreg s18  }
0xb2: {  	[dreg:$0x5] =	wrdreg $0x9  }
0xb3: {  	_ =	task.clear_ibuf [dreg:s8], $0x6FFFF;
	_ =	strace $0x90000046  }
0xb4: {  	s29 =	simm.s32 $0x9;
	_ =	strace $0x80000048  }
0xb5: {  	_ =	swait.ge [sflag:s29], $0x1  }
0xb6: {  	[sflag:s29] =	ssyncadd.s32 $0xFFFFFFFF  }
0xb7: {  	_ =	strace $0x90000048  }
0xb8: {  	_ =	sfence  }
0xb9: {  	s30 =	sld [smem:$0x0];
	_ =	sdelay $0x2  }
0xba: {  	s31 =	sshll.u32 s1, $0xD;
	s1 =	sshrl.u32 s1, $0x2  }
0xbb: {  	s3 =	sand.u32 $0x4000, s31;
	s1 =	sadd.s32 s1, s30  }
0xbc: {  	s0 =	sor.u32 s3, s0;
	s1 =	sshll.u32 s1, $0x11  }
0xbd: {  	s0 =	sor.u32 s1, s0  }
0xbe: {  	s0 =	sadd.s32 $0x8F2B, s0  }
0xbf: {  	[sflag:s0] =	ssyncadd.remote.s32 $0x1  }
0xc0: {  	_ =	sfence.sel $0xFFFF  }
0xc1: {  	[dreg:$0x0] =	wrdreg $0xFFFFFFFF;
	(pc) =	sbr.abs _section_cstart, $3  }
0xc2: {  	[dreg:$0x1] =	wrdreg $0xFFFFFFFF  }
0xc3: {  	_ =	task.clear_ibuf [dreg:s8], $0x2FFFF;
	_ =	strace $0x9FFFFFFF  }
0xc4: {  	(tm) =	ssettm $0x7FFFFFFF  }
0xc5: {  	_ =	shalt  }
tec
execute0_lowered:
.L_overlay_start_1:
0x0: {  	(tag) =	ssettag $0x1  }
0x1: {  	s1 =	rddreg [dreg:$0x0];
	s2 =	srdreg.scid  }
0x2: {  	s0 =	stileid.u32;
	s4 =	rddreg [dreg:$0x1]  }
0x3: {  	s7 =	rddreg [dreg:$0x2];
	s3 =	simm.s32 $0x0;
	s13 =	simm.s32 $0x100  }
0x4: {  	s14 =	simm.s32 $0xE400;
	s15 =	simm.s32 $0x180;
	s16 =	simm.s32 $0x12400  }
0x5: {  	s17 =	simm.s32 $0x1;
	s18 =	simm.s32 $0x2;
	s19 =	simm.s32 $0x4  }
0x6: {  	s20 =	simm.s32 $0x5;
	s21 =	simm.s32 $0x6;
	s10 =	smul.u32 $0x640000, s0  }
0x7: {  	s22 =	simm.s32 $0x7;
	s6 =	sand.u32 $0x1, s2;
	s28 =	smul.u32 $0xC8000, s0  }
0x8: {  	s23 =	simm.s32 $0x8;
	s25 =	sshll.u32 s0, $0x1;
	s12 =	smul.u32 $0x320000, s6  }
0x9: {  	s24 =	simm.s32 $0x0;
	s5 =	sor.u32 s6, s25;
	s29 =	smul.u32 $0x64000, s6  }
0xa: {  	[smem:$0x7FF] =	sst s3;
	s26 =	ssub.s32 $0x2, s6;
	s8 =	smul.u32 $0x6400, s5  }
0xb: {  	_ =	strace $0x80000047;
	s9 =	smul.u32 $0x64000, s5;
	s11 =	sshrl.u32 s26, $0x1  }
0xc: {  	s5 =	ssub.s32 s26, s11;
	s31 =	sadd.s32 s12, s10;
	s10 =	simm.s32 $0x80  }
.Ltmp0:
0xd: {  	s11 =	simm.s32 $0x6400;
	s12 =	simm.s32 $0xA400;
	(pc) =	sbr.rel .LBB2_1-.Ltmp0, $4  }
0xe: {  	s8 =	sshrl.u32 s8, $0x3;
	s5 =	smax.u32 s5, $0x1;
	s30 =	sadd.s32 s7, s9  }
0xf: {  	s9 =	sshrl.u32 s31, $0x3;
	s4 =	sadd.s32 s8, s4;
	s8 =	sadd.s32 s28, s7  }
0x10: {  	s6 =	sadd.s32 $0x63000, s30;
	s7 =	sadd.s32 s9, s7;
	s8 =	sadd.s32 s29, s8  }
0x11: {  	s9 =	simm.s32 $0x9;
	s4 =	sadd.s32 $0x400, s4;
	s8 =	sadd.s32 $0x1800, s8  }
.LBB2_4:
0x12: {  	_ =	swait.ge [sflag:s20], $0x4000  }
0x13: {  	[sflag:s20] =	ssyncset.done $0x0  }
0x14: {  	[sflag:s20] =	ssyncadd.s32 $0xFFFFC000  }
0x15: {  	_ =	swait.ge [sflag:s21], $0x4000  }
0x16: {  	[sflag:s21] =	ssyncset.done $0x0  }
0x17: {  	s24 =	sadd.s32 $0x1, s24;
	[sflag:s21] =	ssyncadd.s32 $0xFFFFC000  }
0x18: {  	p0 =	sne.s32 s24, s5;
	_ =	swait.ge [sflag:s22], $0x4000  }
.Ltmp1:
0x19: {  	[sflag:s22] =	ssyncset.done $0x0;
	(pc) =	sbr.rel @!p0 .LBB2_5-.Ltmp1, $4  }
0x1a: {  	[sflag:s22] =	ssyncadd.s32 $0xFFFFC000  }
0x1b: {  	_ =	swait.ge [sflag:s23], $0x4000  }
0x1c: {  	[sflag:s23] =	ssyncset.done $0x0  }
0x1d: {  	[sflag:s23] =	ssyncadd.s32 $0xFFFFC000  }
.LBB2_1:
0x1e: {  	[tilespmem:s3], [sflag:$0x9] =	stream.linear.gather [hbm4b:s4+s3], $0x6400, $0x38;
	[tilespmem:$0x16400] =	vst v63  }
0x1f: {  	_ =	swait.ge [sflag:s9], $0x6400  }
0x20: {  	[sflag:s9] =	ssyncset.done $0x0  }
0x21: {  	[sflag:s9] =	ssyncadd.s32 $0xFFFF9C00  }
0x22: {  	[tilespmem:s11], [sflag:$0x1] =	stream.indirect.gather [hbm4b:s1+s10], $0x80, s3, s10, $0xb8;
	[tilespmem:$0x16400] =	vst v63  }
0x23: {  	_ = 	snop  }
0x24: {  	[tilespmem:s12], [sflag:$0x2] =	stream.indirect.gather [hbm4b:s1+s10], $0x80, s10, s10, $0xb8;
	[tilespmem:$0x16400] =	vst v63  }
0x25: {  	_ = 	snop  }
0x26: {  	[tilespmem:s14], [sflag:$0x3] =	stream.indirect.gather [hbm4b:s1+s10], $0x80, s13, s10, $0xb8;
	[tilespmem:$0x16400] =	vst v63  }
0x27: {  	s25 =	smov.u32 s8;
	s26 =	smov.u32 s7;
	s28 =	simm.s32 $0x0  }
0x28: {  	[tilespmem:s16], [sflag:$0x4] =	stream.indirect.gather [hbm4b:s1+s10], $0x80, s15, s10, $0xb8;
	[tilespmem:$0x16400] =	vst v63  }
.LBB2_2:
0x29: {  	_ =	swait.ge [sflag:s17], $0x4000  }
0x2a: {  	p0 =	seq.s32 s28, $0x18800;
	[sflag:s17] =	ssyncset.done $0x0  }
0x2b: {  	s29 =	simm.s32 @!p0 $0x5;
	[sflag:s17] =	ssyncadd.s32 $0xFFFFC000  }
0x2c: {  	[hbm4b:s26+s3] =	stream.linear.scatter [tilespmem:s11], [sflag:$0x5], $0x4000, $0x38;
	[tilespmem:$0x16400] =	vst v63  }
0x2d: {  	_ =	swait.ge @!p0 [sflag:s29], $0x4000  }
0x2e: {  	[sflag:s29] =	ssyncset.done @!p0 $0x0  }
0x2f: {  	[sflag:s29] =	ssyncadd.s32 @!p0 $0xFFFFC000;
	s29 =	sshra.s32 @!p0 s28, $0x2  }
0x30: {  	s31 =	simm.s32 @!p0 $0x80;
	s2 =	simm.s32 @!p0 $0x6400;
	s30 =	sadd.s32 @!p0 $0x200, s29  }
0x31: {  	[tilespmem:s2], [sflag:$0x1] =	stream.indirect.gather @!p0 [hbm4b:s1+s31], $0x80, s30, s31, $0xb8;
	[tilespmem:$0x16400] =	vst v63  }
0x32: {  	_ =	swait.ge [sflag:s18], $0x4000  }
0x33: {  	[sflag:s18] =	ssyncset.done $0x0  }
0x34: {  	s30 =	sadd.s32 $0xFFFFF000, s25;
	s2 =	simm.s32 @p0 $0x3;
	[sflag:s18] =	ssyncadd.s32 $0xFFFFC000  }
0x35: {  	[hbm4b:s30+s3] =	stream.linear.scatter [tilespmem:s12], [sflag:$0x6], $0x4000, $0x38;
	[tilespmem:$0x16400] =	vst v63  }
0x36: {  	_ =	swait.ge @p0 [sflag:s2], $0x4000  }
0x37: {  	[sflag:s2] =	ssyncset.done @p0 $0x0  }
0x38: {  	s30 =	simm.s32 @p0 $0xE400;
	[sflag:s2] =	ssyncadd.s32 @p0 $0xFFFFC000;
	s2 =	simm.s32 @p0 $0x0  }
0x39: {  	[hbm4b:s6+s2] =	stream.linear.scatter @p0 [tilespmem:s30], [sflag:$0x7], $0x4000, $0x38;
	[tilespmem:$0x16400] =	vst v63  }
0x3a: {  	s2 =	simm.s32 @!p0 $0x6  }
0x3b: {  	_ =	swait.ge @!p0 [sflag:s2], $0x4000  }
0x3c: {  	[sflag:s2] =	ssyncset.done @!p0 $0x0  }
0x3d: {  	s30 =	simm.s32 @!p0 $0xA400;
	[sflag:s2] =	ssyncadd.s32 @!p0 $0xFFFFC000;
	s2 =	sadd.s32 @!p0 $0x280, s29  }
0x3e: {  	[tilespmem:s30], [sflag:$0x2] =	stream.indirect.gather @!p0 [hbm4b:s1+s31], $0x80, s2, s31, $0xb8;
	[tilespmem:$0x16400] =	vst v63  }
0x3f: {  	s2 =	simm.s32 @!p0 $0x3  }
0x40: {  	_ =	swait.ge @!p0 [sflag:s2], $0x4000  }
0x41: {  	s0 =	simm.s32 @!p0 $0xE400;
	[sflag:s2] =	ssyncset.done @!p0 $0x0  }
0x42: {  	s30 =	simm.s32 @!p0 $0x0;
	[sflag:s2] =	ssyncadd.s32 @!p0 $0xFFFFC000;
	s2 =	sadd.s32 @!p0 $0xFFFFF800, s25  }
0x43: {  	[hbm4b:s2+s30] =	stream.linear.scatter @!p0 [tilespmem:s0], [sflag:$0x7], $0x4000, $0x38;
	[tilespmem:$0x16400] =	vst v63  }
0x44: {  	s2 =	simm.s32 @!p0 $0x7  }
0x45: {  	_ =	swait.ge @!p0 [sflag:s2], $0x4000  }
0x46: {  	[sflag:s2] =	ssyncset.done @!p0 $0x0  }
0x47: {  	[sflag:s2] =	ssyncadd.s32 @!p0 $0xFFFFC000;
	s2 =	sadd.s32 @!p0 $0x300, s29  }
0x48: {  	[tilespmem:s0], [sflag:$0x3] =	stream.indirect.gather @!p0 [hbm4b:s1+s31], $0x80, s2, s31, $0xb8;
	[tilespmem:$0x16400] =	vst v63  }
.Ltmp2:
0x49: {  	_ = 	snop;
	(pc) =	sbr.rel @p0 .LBB2_4-.Ltmp2, $4  }
0x4a: {  	_ =	swait.ge [sflag:s19], $0x4000  }
0x4b: {  	[sflag:s19] =	ssyncset.done $0x0  }
0x4c: {  	[sflag:s19] =	ssyncadd.s32 $0xFFFFC000  }
0x4d: {  	[hbm4b:s25+s3] =	stream.linear.scatter [tilespmem:s16], [sflag:$0x8], $0x4000, $0x38;
	[tilespmem:$0x16400] =	vst v63  }
.Ltmp3:
0x4e: {  	(pc) =	sbr.rel .LBB2_2-.Ltmp3, $4  }
0x4f: {  	_ =	swait.ge [sflag:s23], $0x4000;
	s0 =	sshra.s32 s28, $0x2  }
0x50: {  	s28 =	sadd.s32 $0x800, s28;
	s26 =	sadd.s32 $0x2000, s26;
	[sflag:s23] =	ssyncset.done $0x0  }
0x51: {  	s25 =	sadd.s32 $0x2000, s25;
	s0 =	sadd.s32 $0x380, s0;
	[sflag:s23] =	ssyncadd.s32 $0xFFFFC000  }
0x52: {  	[tilespmem:s16], [sflag:$0x4] =	stream.indirect.gather [hbm4b:s1+s10], $0x80, s0, s10, $0xb8;
	[tilespmem:$0x16400] =	vst v63  }
.LBB2_5:
0x53: {  	_ =	sfence.sel $0x180000  }
0x54: {  	[bflag:$0x0] =	sbarrier.arrive $0xFFFF  }
0x55: {  	_ =	strace $0x90000047  }
0x56: {  	s0 =	stileid.u32;
	[bflag:$0x2] =	sbarrier.arrive $0xFFFF  }
0x57: {  	p0 =	sne.s32 s0, $0x0;
	s0 =	rddreg [dreg:$0x3]  }
0x58: {  	s0 =	sadd.s32 @!p0 $0x100000, s0  }
0x59: {  	[sflag:s0] =	ssyncadd.tile.s32 @!p0 $0x1;
	_ =	shalt  }
.Lfunc_end2:
_tile_overlayer_lowered:
.L_overlay_start_2:
0x5a: {  	(tag) =	ssettag $0x2  }
0x5b: {  	s0 =	rddreg [dreg:$0x0];
	s2 =	stileid.u32  }
0x5c: {  	s1 =	rddreg [dreg:$0x1];
	p0 =	sne.s32 s2, $0x0  }
0x5d: {  	s3 =	rddreg [dreg:$0x2];
	[bflag:$0x3] =	sbarrier.arrive $0xFFFF;
	s2 =	simm.s32 @!p0 $0x1C09  }
0x5e: {  	[timem:s3], [sflag:s2] =	dma.local @!p0 [hbm:s0], s1  }
0x5f: {  	s0 =	simm.s32 @!p0 $0x9  }
0x60: {  	_ =	swait.ge @!p0 [sflag:s0], s1  }
0x61: {  	s1 =	ssub.s32 @!p0 $0x0, s1;
	[sflag:s0] =	ssyncset.done @!p0 $0x0  }
0x62: {  	[sflag:s0] =	ssyncadd.s32 @!p0 s1  }
0x63: {  	[bflag:$0x3] =	sbarrier.arrive $0xFFFF  }
0x64: {  	_ =	shalt  }

</sc_bundles>
